<compile_context>
chip_gen: v7x
topology: tpu7x:2x2x1
jax: 0.10.2.dev20260603
libtpu: 0.0.44.dev20260713+nightly
codegen_flags: <defaults>
</compile_context>

<pallas_src>
import functools

import jax
import jax.numpy as jnp
from jax import lax
from jax.experimental import pallas as pl
from jax.experimental.pallas import tpu as pltpu
from jax.experimental.pallas import tpu_sc as plsc

_SQRT_HALF = 0.7071067811865476


def _gelu(t):
    return 0.5 * t * (1.0 + lax.erf(t * _SQRT_HALF))


def _prep_body(inp_ref, gi_ref, go_ref, pw0_ref, pb0_ref, pw1_ref, pb1_ref,
               kw0a_ref, kw0b_ref, kw0f_ref, kb0_ref,
               x_ref, u_ref, g_ref):
    h = jnp.dot(inp_ref[...], pw0_ref[...], preferred_element_type=jnp.float32) + pb0_ref[...]
    x = jnp.dot(_gelu(h), pw1_ref[...], preferred_element_type=jnp.float32) + pb1_ref[...]
    x_ref[...] = x
    u_ref[...] = (
        jnp.dot(x, kw0f_ref[...], preferred_element_type=jnp.float32)
        + jnp.dot(gi_ref[...], kw0a_ref[...], preferred_element_type=jnp.float32))
    g_ref[...] = (jnp.dot(go_ref[...], kw0b_ref[...], preferred_element_type=jnp.float32)
                  + kb0_ref[...])


def _post_body(rows_ref, g_ref, x_ref, kw1_ref, kb1_ref, lng_ref, lnb_ref, out_ref):
    d = x_ref.shape[-1]
    k = rows_ref.shape[1]
    tp = rows_ref[...] + g_ref[...][:, None, :]
    q = tp * (1.0 + lax.erf(tp))
    s = jnp.sum(q, axis=1)[:, :d] * (_SQRT_HALF / k)
    o = (jnp.dot(s, kw1_ref[...], preferred_element_type=jnp.float32)
         + kb1_ref[...] + x_ref[...])
    mu = jnp.mean(o, axis=-1, keepdims=True)
    dv = o - mu
    var = jnp.mean(dv * dv, axis=-1, keepdims=True)
    out_ref[...] = (dv * lax.rsqrt(var + 1e-5) * lng_ref[...] + lnb_ref[...])[None]


def _sc_gather(table, idx, n_out, d):
    nv, dp = table.shape
    info = plsc.get_sparse_core_info()
    nw = info.num_cores * info.num_subcores
    per_w = n_out // nw
    w = 80
    n_chunks = per_w // w
    mesh = plsc.VectorSubcoreMesh(core_axis_name="c", subcore_axis_name="s")

    @functools.partial(
        pl.kernel,
        out_type=jax.ShapeDtypeStruct((n_out, dp), jnp.float32),
        mesh=mesh,
        scratch_types=[
            pltpu.VMEM_SHARED((nv, dp), jnp.float32),
            pltpu.VMEM((w,), jnp.int32),
            pltpu.VMEM((w,), jnp.int32),
            pltpu.VMEM((w, dp), jnp.float32),
            pltpu.VMEM((w, dp), jnp.float32),
            pltpu.SemaphoreType.DMA,
            pltpu.SemaphoreType.DMA,
            pltpu.SemaphoreType.DMA,
            pltpu.SemaphoreType.DMA,
        ],
    )
    def k(table_hbm, idx_hbm, out_hbm, tab_sh, idx_va, idx_vb, rows_a, rows_b,
          sem_i, sem_g, sem_a, sem_b):
        cid = lax.axis_index("c")
        sid = lax.axis_index("s")
        wid = sid * info.num_cores + cid
        stage_rows = nv // info.num_subcores
        pltpu.async_copy(table_hbm.at[pl.ds(sid * stage_rows, stage_rows)],
                         tab_sh.at[pl.ds(sid * stage_rows, stage_rows)], sem_i).wait()
        plsc.subcore_barrier()
        base0 = wid * per_w
        pltpu.async_copy(idx_hbm.at[pl.ds(base0, w)], idx_va, sem_i).wait()

        @pl.loop(0, n_chunks, step=2)
        def _(ci):
            for j, rows_v, sem_o, idx_cur, idx_nxt in (
                    (0, rows_a, sem_a, idx_va, idx_vb),
                    (1, rows_b, sem_b, idx_vb, idx_va)):
                cur = ci + j

                @pl.when(cur < n_chunks)
                def _():
                    base = base0 + cur * w
                    nxt = base + w

                    @pl.when(cur + 1 < n_chunks)
                    def _():
                        pltpu.async_copy(idx_hbm.at[pl.ds(nxt, w)], idx_nxt, sem_i)

                    @pl.when(cur >= 2)
                    def _():
                        pltpu.make_async_copy(rows_v, out_hbm.at[pl.ds(base0, w)],
                                              sem_o).wait()

                    pltpu.async_copy(tab_sh.at[idx_cur], rows_v, sem_g).wait()
                    pltpu.async_copy(rows_v, out_hbm.at[pl.ds(base, w)], sem_o)

                    @pl.when(cur + 1 < n_chunks)
                    def _():
                        pltpu.make_async_copy(idx_hbm.at[pl.ds(nxt, w)],
                                              idx_nxt, sem_i).wait()

        pltpu.make_async_copy(rows_a, out_hbm.at[pl.ds(base0, w)], sem_a).wait()
        pltpu.make_async_copy(rows_b, out_hbm.at[pl.ds(base0, w)], sem_b).wait()

    return k(table, idx)


def kernel(inp, input_grid, output_grid, nbr_idx, P_W0, P_b0, P_W1, P_b1,
           K_W0, K_b0, K_W1, K_b1, ln_g, ln_b):
    B, N, _ = inp.shape
    D = P_W1.shape[1]
    K = nbr_idx.shape[1]
    nd = input_grid.shape[1]
    NP = 10240

    inp2 = inp.reshape(N, -1)
    DP = 128
    kw0a = jnp.pad(K_W0[:nd], ((0, 0), (0, DP - D))) * _SQRT_HALF
    kw0b = jnp.pad(K_W0[nd:2 * nd], ((0, 0), (0, DP - D))) * _SQRT_HALF
    kw0f = jnp.pad(K_W0[2 * nd:], ((0, 0), (0, DP - D))) * _SQRT_HALF

    AB = 1280
    IN = inp2.shape[1]
    x, u, g = pl.pallas_call(
        _prep_body,
        grid=(NP // AB,),
        in_specs=[
            pl.BlockSpec((AB, IN), lambda i: (i, 0)),
            pl.BlockSpec((AB, nd), lambda i: (i, 0)),
            pl.BlockSpec((AB, nd), lambda i: (i, 0)),
            pl.BlockSpec((IN, 256), lambda i: (0, 0)),
            pl.BlockSpec((1, 256), lambda i: (0, 0)),
            pl.BlockSpec((256, D), lambda i: (0, 0)),
            pl.BlockSpec((1, D), lambda i: (0, 0)),
            pl.BlockSpec((nd, DP), lambda i: (0, 0)),
            pl.BlockSpec((nd, DP), lambda i: (0, 0)),
            pl.BlockSpec((D, DP), lambda i: (0, 0)),
            pl.BlockSpec((1, DP), lambda i: (0, 0)),
        ],
        out_specs=[pl.BlockSpec((AB, D), lambda i: (i, 0)),
                   pl.BlockSpec((AB, DP), lambda i: (i, 0)),
                   pl.BlockSpec((AB, DP), lambda i: (i, 0))],
        out_shape=[jax.ShapeDtypeStruct((N, D), jnp.float32),
                   jax.ShapeDtypeStruct((NP, DP), jnp.float32),
                   jax.ShapeDtypeStruct((N, DP), jnp.float32)],
    )(inp2, input_grid, output_grid, P_W0, P_b0.reshape(1, -1), P_W1,
      P_b1.reshape(1, -1), kw0a, kw0b, kw0f,
      (jnp.pad(K_b0, (0, DP - D)) * _SQRT_HALF).reshape(1, -1))

    idx_all = nbr_idx.astype(jnp.int32).reshape(-1)
    E = N * K
    rows = _sc_gather(u, idx_all, E, D).reshape(N, K, DP)

    NB = 400
    out = pl.pallas_call(
        _post_body,
        grid=(N // NB,),
        in_specs=[
            pl.BlockSpec((NB, K, DP), lambda i: (i, 0, 0)),
            pl.BlockSpec((NB, DP), lambda i: (i, 0)),
            pl.BlockSpec((NB, D), lambda i: (i, 0)),
            pl.BlockSpec((D, D), lambda i: (0, 0)),
            pl.BlockSpec((1, D), lambda i: (0, 0)),
            pl.BlockSpec((1, D), lambda i: (0, 0)),
            pl.BlockSpec((1, D), lambda i: (0, 0)),
        ],
        out_specs=pl.BlockSpec((1, NB, D), lambda i: (0, i, 0)),
        out_shape=jax.ShapeDtypeStruct((B, N, D), jnp.float32),
    )(rows, g, x, K_W1, K_b1.reshape(1, -1), ln_g.reshape(1, -1), ln_b.reshape(1, -1))

    return out

# --- scband reference (transcript-rebuilt; emitter-appended) ---
"""Pipeline reference for scband-gnn-layer-26568667693807 (READ-ONLY COPY).

The authoritative reference and input builder live on the scoring server;
editing this copy changes nothing except your own understanding.
"""

import jax, jax.numpy as jnp
import numpy as np

N = 10000        # grid points (n_nodes)
K = 32           # n_neigbor (fixed kNN fan-in)
IN_DIM = 128     # in_dim
OUT_DIM = 64     # out_dim
PROJ_HID = 256   # projection_hidden_dim
KER_HID = 64     # mlp_layers = [64]
NDIM = 3         # grid coordinate dim
B = 1
KER_IN = 2 * NDIM + OUT_DIM  # 70


def _knn_numpy(data, queries, k):
    # brute-force fixed-k neighbor search (FixedNeighborSearch equivalent), chunked
    n_q = queries.shape[0]
    idx = np.empty((n_q, k), dtype=np.int64)
    sq = (data * data).sum(axis=1)
    chunk = 1024
    for s in range(0, n_q, chunk):
        q = queries[s:s + chunk]
        d = sq[None, :] - 2.0 * (q @ data.T)  # squared dist up to per-row const
        part = np.argpartition(d, k - 1, axis=1)[:, :k]
        rows = np.arange(q.shape[0])[:, None]
        order = np.argsort(d[rows, part], axis=1)
        idx[s:s + chunk] = part[rows, order]
    return idx


def setup_inputs(seed: int = 0):
    key = jax.random.key(seed)
    ks = jax.random.split(key, 8)
    rng = np.random.default_rng(0)
    grid = rng.random((N, NDIM), dtype=np.float32)
    nbr_idx = jnp.asarray(_knn_numpy(grid, grid, K))  # [N, K] int64
    input_grid = jnp.asarray(grid)
    output_grid = jnp.asarray(grid)

    def lin(k, fin, fout):
        return jax.random.normal(k, (fin, fout), dtype=jnp.float32) * np.sqrt(2.0 / (fin + fout)).astype(np.float32)

    inp = jax.random.normal(ks[0], (B, N, IN_DIM), dtype=jnp.float32)
    # projection MLPLinear([in_dim, projection_hidden_dim, out_dim]) with GELU between layers
    P_W0 = lin(ks[1], IN_DIM, PROJ_HID)
    P_b0 = jnp.zeros((PROJ_HID,), dtype=jnp.float32)
    P_W1 = lin(ks[2], PROJ_HID, OUT_DIM)
    P_b1 = jnp.zeros((OUT_DIM,), dtype=jnp.float32)
    # nonlinear integral-transform kernel MLP: [2*n_dim + out_dim] + [64] + [out_dim]
    K_W0 = lin(ks[3], KER_IN, KER_HID)
    K_b0 = jnp.zeros((KER_HID,), dtype=jnp.float32)
    K_W1 = lin(ks[4], KER_HID, OUT_DIM)
    K_b1 = jnp.zeros((OUT_DIM,), dtype=jnp.float32)
    ln_g = jnp.ones((OUT_DIM,), dtype=jnp.float32)
    ln_b = jnp.zeros((OUT_DIM,), dtype=jnp.float32)
    return {"inp": inp, "input_grid": input_grid, "output_grid": output_grid, "nbr_idx": nbr_idx,
            "P_W0": P_W0, "P_b0": P_b0, "P_W1": P_W1, "P_b1": P_b1,
            "K_W0": K_W0, "K_b0": K_b0, "K_W1": K_w1 if False else K_W1, "K_b1": K_b1,
            "ln_g": ln_g, "ln_b": ln_b}


def reference(inp, input_grid, output_grid, nbr_idx, P_W0, P_b0, P_W1, P_b1, K_W0, K_b0, K_W1, K_b1, ln_g, ln_b):
    gelu = lambda t: jax.nn.gelu(t, approximate=False)  # torch F.gelu (erf) fidelity
    # pointwise projection MLP: in_dim -> hidden -> out_dim
    x = gelu(inp @ P_W0 + P_b0) @ P_W1 + P_b1            # [B, N, C]
    # nonlinear IntegralTransform: kernel input = cat(y_j, x_i, f(y_j))
    rep = jnp.take(input_grid, nbr_idx, axis=0)          # [N, K, 3] gathered neighbor coords
    slf = jnp.broadcast_to(output_grid[:, None, :], rep.shape)  # [N, K, 3] query coords
    pos = jnp.concatenate([rep, slf], axis=-1)           # [N, K, 6]
    f_y = jnp.take(x, nbr_idx, axis=1)                   # [B, N, K, C] gathered features
    pos_b = jnp.broadcast_to(pos[None], (x.shape[0],) + pos.shape)
    agg = jnp.concatenate([pos_b, f_y], axis=-1)         # [B, N, K, 70]
    ker = gelu(agg @ K_W0 + K_b0) @ K_W1 + K_b1          # [B, N, K, C]
    out = ker.mean(axis=2)                               # mean over fixed neighborhood (segment-mean)
    out = out + x                                        # residual: shapes match (N_in == N_out, same C)
    mu = out.mean(axis=-1, keepdims=True)
    var = out.var(axis=-1, keepdims=True)
    out = (out - mu) / jnp.sqrt(var + 1e-5) * ln_g + ln_b  # LayerNorm(out_dim)
    return out

if __name__ == "__main__":
    import jax
    _d = setup_inputs()
    print(jax.jit(kernel)(*tuple(_d.values())))

</pallas_src>

<mosaic_0001>
#map = affine_map<(d0, d1) -> (0, 0)>
#map1 = affine_map<(d0, d1) -> (0)>
module attributes {stable_mosaic.version = 14 : i64} {
  func.func @k(%arg0: i32, %arg1: i32, %arg2: memref<10240x128xf32, #tpu.memory_space<hbm>>, %arg3: memref<320000xi32, #tpu.memory_space<hbm>>, %arg4: memref<320000x128xf32, #tpu.memory_space<hbm>>, %arg5: memref<10240x128xf32, #tpu.memory_space<vmem_shared>>, %arg6: memref<80xi32, #tpu.memory_space<vmem>>, %arg7: memref<80xi32, #tpu.memory_space<vmem>>, %arg8: memref<80x128xf32, #tpu.memory_space<vmem>>, %arg9: memref<80x128xf32, #tpu.memory_space<vmem>>, %arg10: memref<!tpu.dma_semaphore, #tpu.memory_space<semaphore_mem>>, %arg11: memref<!tpu.dma_semaphore, #tpu.memory_space<semaphore_mem>>, %arg12: memref<!tpu.dma_semaphore, #tpu.memory_space<semaphore_mem>>, %arg13: memref<!tpu.dma_semaphore, #tpu.memory_space<semaphore_mem>>) attributes {dimension_semantics = [#tpu.dimension_semantics<core_parallel>, #tpu.dimension_semantics<subcore_parallel>], iteration_bounds = array<i64: 2, 16>, scalar_prefetch = 0 : i64, scratch_operands = 9 : i64, tpu.core_type = #tpu.core_type<sc_vector_subcore>, window_params = [{transform_indices = #map}, {transform_indices = #map1}, {transform_indices = #map}]} {
    %mul3A = arith.constant 2 : i32
    %mul3A_0 = arith.muli %arg1, %mul3A : i32
    %add3A = arith.addi %mul3A_0, %arg0 : i32
    %mul3A_1 = arith.constant 640 : i32
    %mul3A_2 = arith.muli %arg1, %mul3A_1 : i32
    %mul3A_3 = arith.constant 640 : i32
    %mul3A_4 = arith.muli %arg1, %mul3A_3 : i32
    %dma_start3A = arith.constant 0 : i32
    %dma_start3A_5 = tpu.memref_slice %arg5[%mul3A_4, %dma_start3A] : memref<10240x128xf32, #tpu.memory_space<vmem_shared>> -> memref<640x128xf32, #tpu.memory_space<vmem_shared>>
    %dma_start3A_6 = arith.constant 0 : i32
    %dma_start3A_7 = tpu.memref_slice %arg2[%mul3A_2, %dma_start3A_6] : memref<10240x128xf32, #tpu.memory_space<hbm>> -> memref<640x128xf32, #tpu.memory_space<hbm>>
    tpu.enqueue_dma source(%dma_start3A_7 : memref<640x128xf32, #tpu.memory_space<hbm>>) target(%dma_start3A_5 : memref<640x128xf32, #tpu.memory_space<vmem_shared>>) target_semaphore(%arg10 : memref<!tpu.dma_semaphore, #tpu.memory_space<semaphore_mem>>)
    %dma_wait3A = arith.constant 0 : i32
    %dma_wait3A_8 = tpu.memref_slice %arg5[%mul3A_4, %dma_wait3A] : memref<10240x128xf32, #tpu.memory_space<vmem_shared>> -> memref<640x128xf32, #tpu.memory_space<vmem_shared>>
    %dma_wait3A_9 = arith.constant 0 : i32
    %dma_wait3A_10 = tpu.memref_slice %arg2[%mul3A_2, %dma_wait3A_9] : memref<10240x128xf32, #tpu.memory_space<hbm>> -> memref<640x128xf32, #tpu.memory_space<hbm>>
    tpu.wait_dma2 semaphore(%arg10 : memref<!tpu.dma_semaphore, #tpu.memory_space<semaphore_mem>>) src(%dma_wait3A_10 : memref<640x128xf32, #tpu.memory_space<hbm>>) dst(%dma_wait3A_8 : memref<640x128xf32, #tpu.memory_space<vmem_shared>>)
    %barrier3A = arith.constant 0 : index
    tpu.barrier barrier_id(%barrier3A)
    %mul3A_11 = arith.constant 10000 : i32
    %mul3A_12 = arith.muli %add3A, %mul3A_11 : i32
    %dma_start3A_13 = tpu.memref_slice %arg3[%mul3A_12] : memref<320000xi32, #tpu.memory_space<hbm>> -> memref<80xi32, #tpu.memory_space<hbm>>
    %dma_start3A_14 = tpu.memref_slice %arg3[%mul3A_12] : memref<320000xi32, #tpu.memory_space<hbm>> -> memref<80xi32, #tpu.memory_space<hbm>>
    tpu.enqueue_dma source(%dma_start3A_14 : memref<80xi32, #tpu.memory_space<hbm>>) target(%arg6 : memref<80xi32, #tpu.memory_space<vmem>>) target_semaphore(%arg10 : memref<!tpu.dma_semaphore, #tpu.memory_space<semaphore_mem>>)
    %dma_wait3A_15 = tpu.memref_slice %arg3[%mul3A_12] : memref<320000xi32, #tpu.memory_space<hbm>> -> memref<80xi32, #tpu.memory_space<hbm>>
    %dma_wait3A_16 = tpu.memref_slice %arg3[%mul3A_12] : memref<320000xi32, #tpu.memory_space<hbm>> -> memref<80xi32, #tpu.memory_space<hbm>>
    tpu.wait_dma2 semaphore(%arg10 : memref<!tpu.dma_semaphore, #tpu.memory_space<semaphore_mem>>) src(%dma_wait3A_16 : memref<80xi32, #tpu.memory_space<hbm>>) dst(%arg6 : memref<80xi32, #tpu.memory_space<vmem>>)
    %scan3A = arith.constant 0 : i32
    %scan3A_17 = arith.constant 63 : i32
    %scan3A_18 = arith.addi %scan3A, %scan3A_17 : i32
    %scan3A_19 = arith.constant 1 : i32
    scf.for %scan3A_29 = %scan3A to %scan3A_18 step %scan3A_19  : i32 {
      %mul3A_30 = arith.constant 2 : i32
      %mul3A_31 = arith.muli %scan3A_29, %mul3A_30 : i32
      %add3A_32 = arith.constant 0 : i32
      %add3A_33 = arith.addi %add3A_32, %mul3A_31 : i32
      %add3A_34 = arith.constant 0 : i32
      %add3A_35 = arith.addi %add3A_33, %add3A_34 : i32
      %lt3A = arith.constant 125 : i32
      %lt3A_36 = arith.cmpi slt, %add3A_35, %lt3A : i32
      %convert_element_type3A = arith.extui %lt3A_36 : i1 to i32
      %cond3A = arith.constant 0 : i32
      %cond3A_37 = arith.cmpi ne, %convert_element_type3A, %cond3A : i32
      scf.if %cond3A_37 {
        %mul3A_45 = arith.constant 80 : i32
        %mul3A_46 = arith.muli %add3A_35, %mul3A_45 : i32
        %add3A_47 = arith.addi %mul3A_12, %mul3A_46 : i32
        %add3A_48 = arith.constant 80 : i32
        %add3A_49 = arith.addi %add3A_47, %add3A_48 : i32
        %add3A_50 = arith.constant 1 : i32
        %add3A_51 = arith.addi %add3A_35, %add3A_50 : i32
        %lt3A_52 = arith.constant 125 : i32
        %lt3A_53 = arith.cmpi slt, %add3A_51, %lt3A_52 : i32
        %convert_element_type3A_54 = arith.extui %lt3A_53 : i1 to i32
        %cond3A_55 = arith.constant 0 : i32
        %cond3A_56 = arith.cmpi ne, %convert_element_type3A_54, %cond3A_55 : i32
        scf.if %cond3A_56 {
          %dma_start3A_78 = tpu.memref_slice %arg3[%add3A_49] : memref<320000xi32, #tpu.memory_space<hbm>> -> memref<80xi32, #tpu.memory_space<hbm>>
          %dma_start3A_79 = tpu.memref_slice %arg3[%add3A_49] : memref<320000xi32, #tpu.memory_space<hbm>> -> memref<80xi32, #tpu.memory_space<hbm>>
          tpu.enqueue_dma source(%dma_start3A_79 : memref<80xi32, #tpu.memory_space<hbm>>) target(%arg7 : memref<80xi32, #tpu.memory_space<vmem>>) target_semaphore(%arg10 : memref<!tpu.dma_semaphore, #tpu.memory_space<semaphore_mem>>)
        } else {
        }
        %ge3A = arith.constant 2 : i32
        %ge3A_57 = arith.cmpi sge, %add3A_35, %ge3A : i32
        %convert_element_type3A_58 = arith.extui %ge3A_57 : i1 to i32
        %cond3A_59 = arith.constant 0 : i32
        %cond3A_60 = arith.cmpi ne, %convert_element_type3A_58, %cond3A_59 : i32
        scf.if %cond3A_60 {
          %dma_wait3A_78 = arith.constant 0 : i32
          %dma_wait3A_79 = tpu.memref_slice %arg4[%mul3A_12, %dma_wait3A_78] : memref<320000x128xf32, #tpu.memory_space<hbm>> -> memref<80x128xf32, #tpu.memory_space<hbm>>
          %dma_wait3A_80 = arith.constant 0 : i32
          %dma_wait3A_81 = tpu.memref_slice %arg4[%mul3A_12, %dma_wait3A_80] : memref<320000x128xf32, #tpu.memory_space<hbm>> -> memref<80x128xf32, #tpu.memory_space<hbm>>
          tpu.wait_dma2 semaphore(%arg12 : memref<!tpu.dma_semaphore, #tpu.memory_space<semaphore_mem>>) src(%arg8 : memref<80x128xf32, #tpu.memory_space<vmem>>) dst(%dma_wait3A_81 : memref<80x128xf32, #tpu.memory_space<hbm>>)
        } else {
        }
        %dma_start3A_61 = arith.constant 0 : i32
        %dma_start3A_62 = arith.constant 0 : i32
        %dma_start3A_63 = tpu.memref_slice %arg5[%dma_start3A_61, %dma_start3A_62] : memref<10240x128xf32, #tpu.memory_space<vmem_shared>> -> memref<10240x128xf32, #tpu.memory_space<vmem_shared>>
        tpu.enqueue_indirect_dma source(%dma_start3A_63 : memref<10240x128xf32, #tpu.memory_space<vmem_shared>>) target(%arg8 : memref<80x128xf32, #tpu.memory_space<vmem>>) offsets(%arg6 : memref<80xi32, #tpu.memory_space<vmem>>) semaphore(%arg11 : memref<!tpu.dma_semaphore, #tpu.memory_space<semaphore_mem>>)
        %dma_wait3A_64 = arith.constant 0 : i32
        %dma_wait3A_65 = arith.constant 0 : i32
        %dma_wait3A_66 = tpu.memref_slice %arg5[%dma_wait3A_64, %dma_wait3A_65] : memref<10240x128xf32, #tpu.memory_space<vmem_shared>> -> memref<10240x128xf32, #tpu.memory_space<vmem_shared>>
        tpu.wait_indirect_dma semaphore(%arg11 : memref<!tpu.dma_semaphore, #tpu.memory_space<semaphore_mem>>) src(%dma_wait3A_66 : memref<10240x128xf32, #tpu.memory_space<vmem_shared>>) dst(%arg8 : memref<80x128xf32, #tpu.memory_space<vmem>>)
        %dma_start3A_67 = arith.constant 0 : i32
        %dma_start3A_68 = tpu.memref_slice %arg4[%add3A_47, %dma_start3A_67] : memref<320000x128xf32, #tpu.memory_space<hbm>> -> memref<80x128xf32, #tpu.memory_space<hbm>>
        %dma_start3A_69 = arith.constant 0 : i32
        %dma_start3A_70 = tpu.memref_slice %arg4[%add3A_47, %dma_start3A_69] : memref<320000x128xf32, #tpu.memory_space<hbm>> -> memref<80x128xf32, #tpu.memory_space<hbm>>
        tpu.enqueue_dma source(%arg8 : memref<80x128xf32, #tpu.memory_space<vmem>>) target(%dma_start3A_70 : memref<80x128xf32, #tpu.memory_space<hbm>>) target_semaphore(%arg12 : memref<!tpu.dma_semaphore, #tpu.memory_space<semaphore_mem>>)
        %add3A_71 = arith.constant 1 : i32
        %add3A_72 = arith.addi %add3A_35, %add3A_71 : i32
        %lt3A_73 = arith.constant 125 : i32
        %lt3A_74 = arith.cmpi slt, %add3A_72, %lt3A_73 : i32
        %convert_element_type3A_75 = arith.extui %lt3A_74 : i1 to i32
        %cond3A_76 = arith.constant 0 : i32
        %cond3A_77 = arith.cmpi ne, %convert_element_type3A_75, %cond3A_76 : i32
        scf.if %cond3A_77 {
          %dma_wait3A_78 = tpu.memref_slice %arg3[%add3A_49] : memref<320000xi32, #tpu.memory_space<hbm>> -> memref<80xi32, #tpu.memory_space<hbm>>
          %dma_wait3A_79 = tpu.memref_slice %arg3[%add3A_49] : memref<320000xi32, #tpu.memory_space<hbm>> -> memref<80xi32, #tpu.memory_space<hbm>>
          tpu.wait_dma2 semaphore(%arg10 : memref<!tpu.dma_semaphore, #tpu.memory_space<semaphore_mem>>) src(%dma_wait3A_79 : memref<80xi32, #tpu.memory_space<hbm>>) dst(%arg7 : memref<80xi32, #tpu.memory_space<vmem>>)
        } else {
        }
      } else {
      }
      %add3A_38 = arith.constant 1 : i32
      %add3A_39 = arith.addi %add3A_33, %add3A_38 : i32
      %lt3A_40 = arith.constant 125 : i32
      %lt3A_41 = arith.cmpi slt, %add3A_39, %lt3A_40 : i32
      %convert_element_type3A_42 = arith.extui %lt3A_41 : i1 to i32
      %cond3A_43 = arith.constant 0 : i32
      %cond3A_44 = arith.cmpi ne, %convert_element_type3A_42, %cond3A_43 : i32
      scf.if %cond3A_44 {
        %mul3A_45 = arith.constant 80 : i32
        %mul3A_46 = arith.muli %add3A_39, %mul3A_45 : i32
        %add3A_47 = arith.addi %mul3A_12, %mul3A_46 : i32
        %add3A_48 = arith.constant 80 : i32
        %add3A_49 = arith.addi %add3A_47, %add3A_48 : i32
        %add3A_50 = arith.constant 1 : i32
        %add3A_51 = arith.addi %add3A_39, %add3A_50 : i32
        %lt3A_52 = arith.constant 125 : i32
        %lt3A_53 = arith.cmpi slt, %add3A_51, %lt3A_52 : i32
        %convert_element_type3A_54 = arith.extui %lt3A_53 : i1 to i32
        %cond3A_55 = arith.constant 0 : i32
        %cond3A_56 = arith.cmpi ne, %convert_element_type3A_54, %cond3A_55 : i32
        scf.if %cond3A_56 {
          %dma_start3A_78 = tpu.memref_slice %arg3[%add3A_49] : memref<320000xi32, #tpu.memory_space<hbm>> -> memref<80xi32, #tpu.memory_space<hbm>>
          %dma_start3A_79 = tpu.memref_slice %arg3[%add3A_49] : memref<320000xi32, #tpu.memory_space<hbm>> -> memref<80xi32, #tpu.memory_space<hbm>>
          tpu.enqueue_dma source(%dma_start3A_79 : memref<80xi32, #tpu.memory_space<hbm>>) target(%arg6 : memref<80xi32, #tpu.memory_space<vmem>>) target_semaphore(%arg10 : memref<!tpu.dma_semaphore, #tpu.memory_space<semaphore_mem>>)
        } else {
        }
        %ge3A = arith.constant 2 : i32
        %ge3A_57 = arith.cmpi sge, %add3A_39, %ge3A : i32
        %convert_element_type3A_58 = arith.extui %ge3A_57 : i1 to i32
        %cond3A_59 = arith.constant 0 : i32
        %cond3A_60 = arith.cmpi ne, %convert_element_type3A_58, %cond3A_59 : i32
        scf.if %cond3A_60 {
          %dma_wait3A_78 = arith.constant 0 : i32
          %dma_wait3A_79 = tpu.memref_slice %arg4[%mul3A_12, %dma_wait3A_78] : memref<320000x128xf32, #tpu.memory_space<hbm>> -> memref<80x128xf32, #tpu.memory_space<hbm>>
          %dma_wait3A_80 = arith.constant 0 : i32
          %dma_wait3A_81 = tpu.memref_slice %arg4[%mul3A_12, %dma_wait3A_80] : memref<320000x128xf32, #tpu.memory_space<hbm>> -> memref<80x128xf32, #tpu.memory_space<hbm>>
          tpu.wait_dma2 semaphore(%arg13 : memref<!tpu.dma_semaphore, #tpu.memory_space<semaphore_mem>>) src(%arg9 : memref<80x128xf32, #tpu.memory_space<vmem>>) dst(%dma_wait3A_81 : memref<80x128xf32, #tpu.memory_space<hbm>>)
        } else {
        }
        %dma_start3A_61 = arith.constant 0 : i32
        %dma_start3A_62 = arith.constant 0 : i32
        %dma_start3A_63 = tpu.memref_slice %arg5[%dma_start3A_61, %dma_start3A_62] : memref<10240x128xf32, #tpu.memory_space<vmem_shared>> -> memref<10240x128xf32, #tpu.memory_space<vmem_shared>>
        tpu.enqueue_indirect_dma source(%dma_start3A_63 : memref<10240x128xf32, #tpu.memory_space<vmem_shared>>) target(%arg9 : memref<80x128xf32, #tpu.memory_space<vmem>>) offsets(%arg7 : memref<80xi32, #tpu.memory_space<vmem>>) semaphore(%arg11 : memref<!tpu.dma_semaphore, #tpu.memory_space<semaphore_mem>>)
        %dma_wait3A_64 = arith.constant 0 : i32
        %dma_wait3A_65 = arith.constant 0 : i32
        %dma_wait3A_66 = tpu.memref_slice %arg5[%dma_wait3A_64, %dma_wait3A_65] : memref<10240x128xf32, #tpu.memory_space<vmem_shared>> -> memref<10240x128xf32, #tpu.memory_space<vmem_shared>>
        tpu.wait_indirect_dma semaphore(%arg11 : memref<!tpu.dma_semaphore, #tpu.memory_space<semaphore_mem>>) src(%dma_wait3A_66 : memref<10240x128xf32, #tpu.memory_space<vmem_shared>>) dst(%arg9 : memref<80x128xf32, #tpu.memory_space<vmem>>)
        %dma_start3A_67 = arith.constant 0 : i32
        %dma_start3A_68 = tpu.memref_slice %arg4[%add3A_47, %dma_start3A_67] : memref<320000x128xf32, #tpu.memory_space<hbm>> -> memref<80x128xf32, #tpu.memory_space<hbm>>
        %dma_start3A_69 = arith.constant 0 : i32
        %dma_start3A_70 = tpu.memref_slice %arg4[%add3A_47, %dma_start3A_69] : memref<320000x128xf32, #tpu.memory_space<hbm>> -> memref<80x128xf32, #tpu.memory_space<hbm>>
        tpu.enqueue_dma source(%arg9 : memref<80x128xf32, #tpu.memory_space<vmem>>) target(%dma_start3A_70 : memref<80x128xf32, #tpu.memory_space<hbm>>) target_semaphore(%arg13 : memref<!tpu.dma_semaphore, #tpu.memory_space<semaphore_mem>>)
        %add3A_71 = arith.constant 1 : i32
        %add3A_72 = arith.addi %add3A_39, %add3A_71 : i32
        %lt3A_73 = arith.constant 125 : i32
        %lt3A_74 = arith.cmpi slt, %add3A_72, %lt3A_73 : i32
        %convert_element_type3A_75 = arith.extui %lt3A_74 : i1 to i32
        %cond3A_76 = arith.constant 0 : i32
        %cond3A_77 = arith.cmpi ne, %convert_element_type3A_75, %cond3A_76 : i32
        scf.if %cond3A_77 {
          %dma_wait3A_78 = tpu.memref_slice %arg3[%add3A_49] : memref<320000xi32, #tpu.memory_space<hbm>> -> memref<80xi32, #tpu.memory_space<hbm>>
          %dma_wait3A_79 = tpu.memref_slice %arg3[%add3A_49] : memref<320000xi32, #tpu.memory_space<hbm>> -> memref<80xi32, #tpu.memory_space<hbm>>
          tpu.wait_dma2 semaphore(%arg10 : memref<!tpu.dma_semaphore, #tpu.memory_space<semaphore_mem>>) src(%dma_wait3A_79 : memref<80xi32, #tpu.memory_space<hbm>>) dst(%arg6 : memref<80xi32, #tpu.memory_space<vmem>>)
        } else {
        }
      } else {
      }
    }
    %scan3A_20 = arith.constant 63 : i32
    %dma_wait3A_21 = arith.constant 0 : i32
    %dma_wait3A_22 = tpu.memref_slice %arg4[%mul3A_12, %dma_wait3A_21] : memref<320000x128xf32, #tpu.memory_space<hbm>> -> memref<80x128xf32, #tpu.memory_space<hbm>>
    %dma_wait3A_23 = arith.constant 0 : i32
    %dma_wait3A_24 = tpu.memref_slice %arg4[%mul3A_12, %dma_wait3A_23] : memref<320000x128xf32, #tpu.memory_space<hbm>> -> memref<80x128xf32, #tpu.memory_space<hbm>>
    tpu.wait_dma2 semaphore(%arg12 : memref<!tpu.dma_semaphore, #tpu.memory_space<semaphore_mem>>) src(%arg8 : memref<80x128xf32, #tpu.memory_space<vmem>>) dst(%dma_wait3A_24 : memref<80x128xf32, #tpu.memory_space<hbm>>)
    %dma_wait3A_25 = arith.constant 0 : i32
    %dma_wait3A_26 = tpu.memref_slice %arg4[%mul3A_12, %dma_wait3A_25] : memref<320000x128xf32, #tpu.memory_space<hbm>> -> memref<80x128xf32, #tpu.memory_space<hbm>>
    %dma_wait3A_27 = arith.constant 0 : i32
    %dma_wait3A_28 = tpu.memref_slice %arg4[%mul3A_12, %dma_wait3A_27] : memref<320000x128xf32, #tpu.memory_space<hbm>> -> memref<80x128xf32, #tpu.memory_space<hbm>>
    tpu.wait_dma2 semaphore(%arg13 : memref<!tpu.dma_semaphore, #tpu.memory_space<semaphore_mem>>) src(%arg9 : memref<80x128xf32, #tpu.memory_space<vmem>>) dst(%dma_wait3A_28 : memref<80x128xf32, #tpu.memory_space<hbm>>)
    return
  }
}

module attributes {stable_mosaic.version = 14 : i64} {
  func.func @_prep_body(%arg0: i32, %arg1: memref<1280x128xf32, #tpu.memory_space<vmem>>, %arg2: memref<1280x3xf32, #tpu.memory_space<vmem>>, %arg3: memref<1280x3xf32, #tpu.memory_space<vmem>>, %arg4: memref<128x256xf32, #tpu.memory_space<vmem>>, %arg5: memref<1x256xf32, #tpu.memory_space<vmem>>, %arg6: memref<256x64xf32, #tpu.memory_space<vmem>>, %arg7: memref<1x64xf32, #tpu.memory_space<vmem>>, %arg8: memref<3x128xf32, #tpu.memory_space<vmem>>, %arg9: memref<3x128xf32, #tpu.memory_space<vmem>>, %arg10: memref<64x128xf32, #tpu.memory_space<vmem>>, %arg11: memref<1x128xf32, #tpu.memory_space<vmem>>, %arg12: memref<1280x64xf32, #tpu.memory_space<vmem>>, %arg13: memref<1280x128xf32, #tpu.memory_space<vmem>>, %arg14: memref<1280x128xf32, #tpu.memory_space<vmem>>) attributes {dimension_semantics = [#tpu.dimension_semantics<arbitrary>], iteration_bounds = array<i64: 8>, scalar_prefetch = 0 : i64, scratch_operands = 0 : i64, tpu.core_type = #tpu.core_type<tc>, window_params = [{transform_indices = @transform_0, window_bounds = array<i64: 1280, 128>}, {transform_indices = @transform_1, window_bounds = array<i64: 1280, 3>}, {transform_indices = @transform_2, window_bounds = array<i64: 1280, 3>}, {pipeline_mode = #tpu.pipeline_mode<synchronous>, transform_indices = @transform_3, window_bounds = array<i64: 128, 256>}, {pipeline_mode = #tpu.pipeline_mode<synchronous>, transform_indices = @transform_4, window_bounds = array<i64: 1, 256>}, {pipeline_mode = #tpu.pipeline_mode<synchronous>, transform_indices = @transform_5, window_bounds = array<i64: 256, 64>}, {pipeline_mode = #tpu.pipeline_mode<synchronous>, transform_indices = @transform_6, window_bounds = array<i64: 1, 64>}, {pipeline_mode = #tpu.pipeline_mode<synchronous>, transform_indices = @transform_7, window_bounds = array<i64: 3, 128>}, {pipeline_mode = #tpu.pipeline_mode<synchronous>, transform_indices = @transform_8, window_bounds = array<i64: 3, 128>}, {pipeline_mode = #tpu.pipeline_mode<synchronous>, transform_indices = @transform_9, window_bounds = array<i64: 64, 128>}, {pipeline_mode = #tpu.pipeline_mode<synchronous>, transform_indices = @transform_10, window_bounds = array<i64: 1, 128>}, {transform_indices = @transform_11, window_bounds = array<i64: 1280, 64>}, {transform_indices = @transform_12, window_bounds = array<i64: 1280, 128>}, {transform_indices = @transform_13, window_bounds = array<i64: 1280, 128>}]} {
    %get3A = arith.constant 0 : index
    %get3A_0 = arith.constant 0 : index
    %get3A_1 = vector.load %arg1[%get3A, %get3A_0] : memref<1280x128xf32, #tpu.memory_space<vmem>>, vector<1280x128xf32>
    %get3A_2 = arith.constant 0 : index
    %get3A_3 = arith.constant 0 : index
    %get3A_4 = vector.load %arg4[%get3A_2, %get3A_3] : memref<128x256xf32, #tpu.memory_space<vmem>>, vector<128x256xf32>
    %dot_general3A = arith.constant dense<0.000000e+00> : vector<1280x256xf32>
    %dot_general3A_5 = tpu.matmul %get3A_1, %get3A_4, %dot_general3A {dimension_numbers = #tpu.dot_dimension_numbers<[1], [0], [0], [1], [0, 0, 1, 1], [], []>, transpose_lhs_hint = false} : vector<1280x128xf32>, vector<128x256xf32>, vector<1280x256xf32> -> vector<1280x256xf32>
    %get3A_6 = arith.constant 0 : index
    %get3A_7 = arith.constant 0 : index
    %get3A_8 = vector.load %arg5[%get3A_6, %get3A_7] : memref<1x256xf32, #tpu.memory_space<vmem>>, vector<1x256xf32>
    %add3A = vector.broadcast %get3A_8 : vector<1x256xf32> to vector<1280x256xf32>
    %add3A_9 = arith.addf %dot_general3A_5, %add3A : vector<1280x256xf32>
    %mul3A = arith.constant 5.000000e-01 : f32
    %mul3A_10 = vector.broadcast %mul3A : f32 to vector<1280x256xf32>
    %mul3A_11 = arith.mulf %mul3A_10, %add3A_9 : vector<1280x256xf32>
    %mul3A_12 = arith.constant 0.707106769 : f32
    %mul3A_13 = vector.broadcast %mul3A_12 : f32 to vector<1280x256xf32>
    %mul3A_14 = arith.mulf %add3A_9, %mul3A_13 : vector<1280x256xf32>
    %erf3A = math.erf %mul3A_14 : vector<1280x256xf32>
    %add3A_15 = arith.constant 1.000000e+00 : f32
    %add3A_16 = vector.broadcast %add3A_15 : f32 to vector<1280x256xf32>
    %add3A_17 = arith.addf %add3A_16, %erf3A : vector<1280x256xf32>
    %mul3A_18 = arith.mulf %mul3A_11, %add3A_17 : vector<1280x256xf32>
    %get3A_19 = arith.constant 0 : index
    %get3A_20 = arith.constant 0 : index
    %get3A_21 = vector.load %arg6[%get3A_19, %get3A_20] : memref<256x64xf32, #tpu.memory_space<vmem>>, vector<256x64xf32>
    %dot_general3A_22 = arith.constant dense<0.000000e+00> : vector<1280x64xf32>
    %dot_general3A_23 = tpu.matmul %mul3A_18, %get3A_21, %dot_general3A_22 {dimension_numbers = #tpu.dot_dimension_numbers<[1], [0], [0], [1], [0, 0, 1, 1], [], []>, transpose_lhs_hint = false} : vector<1280x256xf32>, vector<256x64xf32>, vector<1280x64xf32> -> vector<1280x64xf32>
    %get3A_24 = arith.constant 0 : index
    %get3A_25 = arith.constant 0 : index
    %get3A_26 = vector.load %arg7[%get3A_24, %get3A_25] : memref<1x64xf32, #tpu.memory_space<vmem>>, vector<1x64xf32>
    %add3A_27 = vector.broadcast %get3A_26 : vector<1x64xf32> to vector<1280x64xf32>
    %add3A_28 = arith.addf %dot_general3A_23, %add3A_27 : vector<1280x64xf32>
    %swap3A = arith.constant 0 : index
    %swap3A_29 = arith.constant 0 : index
    %swap3A_30 = vector.load %arg12[%swap3A, %swap3A_29] : memref<1280x64xf32, #tpu.memory_space<vmem>>, vector<1280x64xf32>
    tpu.vector_store %arg12[%swap3A, %swap3A_29], %add3A_28 {strides = array<i32>} : memref<1280x64xf32, #tpu.memory_space<vmem>>, vector<1280x64xf32>,
    %get3A_31 = arith.constant 0 : index
    %get3A_32 = arith.constant 0 : index
    %get3A_33 = vector.load %arg10[%get3A_31, %get3A_32] : memref<64x128xf32, #tpu.memory_space<vmem>>, vector<64x128xf32>
    %dot_general3A_34 = arith.constant dense<0.000000e+00> : vector<1280x128xf32>
    %dot_general3A_35 = tpu.matmul %add3A_28, %get3A_33, %dot_general3A_34 {dimension_numbers = #tpu.dot_dimension_numbers<[1], [0], [0], [1], [0, 0, 1, 1], [], []>, transpose_lhs_hint = false} : vector<1280x64xf32>, vector<64x128xf32>, vector<1280x128xf32> -> vector<1280x128xf32>
    %get3A_36 = arith.constant 0 : index
    %get3A_37 = arith.constant 0 : index
    %get3A_38 = vector.load %arg2[%get3A_36, %get3A_37] : memref<1280x3xf32, #tpu.memory_space<vmem>>, vector<1280x3xf32>
    %get3A_39 = arith.constant 0 : index
    %get3A_40 = arith.constant 0 : index
    %get3A_41 = vector.load %arg8[%get3A_39, %get3A_40] : memref<3x128xf32, #tpu.memory_space<vmem>>, vector<3x128xf32>
    %dot_general3A_42 = arith.constant dense<0.000000e+00> : vector<1280x128xf32>
    %dot_general3A_43 = tpu.matmul %get3A_38, %get3A_41, %dot_general3A_42 {dimension_numbers = #tpu.dot_dimension_numbers<[1], [0], [0], [1], [0, 0, 1, 1], [], []>, transpose_lhs_hint = false} : vector<1280x3xf32>, vector<3x128xf32>, vector<1280x128xf32> -> vector<1280x128xf32>
    %add3A_44 = arith.addf %dot_general3A_35, %dot_general3A_43 : vector<1280x128xf32>
    %swap3A_45 = arith.constant 0 : index
    %swap3A_46 = arith.constant 0 : index
    %swap3A_47 = vector.load %arg13[%swap3A_45, %swap3A_46] : memref<1280x128xf32, #tpu.memory_space<vmem>>, vector<1280x128xf32>
    tpu.vector_store %arg13[%swap3A_45, %swap3A_46], %add3A_44 {strides = array<i32>} : memref<1280x128xf32, #tpu.memory_space<vmem>>, vector<1280x128xf32>,
    %get3A_48 = arith.constant 0 : index
    %get3A_49 = arith.constant 0 : index
    %get3A_50 = vector.load %arg3[%get3A_48, %get3A_49] : memref<1280x3xf32, #tpu.memory_space<vmem>>, vector<1280x3xf32>
    %get3A_51 = arith.constant 0 : index
    %get3A_52 = arith.constant 0 : index
    %get3A_53 = vector.load %arg9[%get3A_51, %get3A_52] : memref<3x128xf32, #tpu.memory_space<vmem>>, vector<3x128xf32>
    %dot_general3A_54 = arith.constant dense<0.000000e+00> : vector<1280x128xf32>
    %dot_general3A_55 = tpu.matmul %get3A_50, %get3A_53, %dot_general3A_54 {dimension_numbers = #tpu.dot_dimension_numbers<[1], [0], [0], [1], [0, 0, 1, 1], [], []>, transpose_lhs_hint = false} : vector<1280x3xf32>, vector<3x128xf32>, vector<1280x128xf32> -> vector<1280x128xf32>
    %get3A_56 = arith.constant 0 : index
    %get3A_57 = arith.constant 0 : index
    %get3A_58 = vector.load %arg11[%get3A_56, %get3A_57] : memref<1x128xf32, #tpu.memory_space<vmem>>, vector<1x128xf32>
    %add3A_59 = vector.broadcast %get3A_58 : vector<1x128xf32> to vector<1280x128xf32>
    %add3A_60 = arith.addf %dot_general3A_55, %add3A_59 : vector<1280x128xf32>
    %swap3A_61 = arith.constant 0 : index
    %swap3A_62 = arith.constant 0 : index
    %swap3A_63 = vector.load %arg14[%swap3A_61, %swap3A_62] : memref<1280x128xf32, #tpu.memory_space<vmem>>, vector<1280x128xf32>
    tpu.vector_store %arg14[%swap3A_61, %swap3A_62], %add3A_60 {strides = array<i32>} : memref<1280x128xf32, #tpu.memory_space<vmem>>, vector<1280x128xf32>,
    return
  }
  func.func @transform_0(%arg0: i32) -> (i32, i32) {
    %c0_i32 = arith.constant 0 : i32
    %c0_i32_0 = arith.constant 0 : i32
    return %arg0, %c0_i32 : i32, i32
  }
  func.func @transform_1(%arg0: i32) -> (i32, i32) {
    %c0_i32 = arith.constant 0 : i32
    %c0_i32_0 = arith.constant 0 : i32
    return %arg0, %c0_i32 : i32, i32
  }
  func.func @transform_2(%arg0: i32) -> (i32, i32) {
    %c0_i32 = arith.constant 0 : i32
    %c0_i32_0 = arith.constant 0 : i32
    return %arg0, %c0_i32 : i32, i32
  }
  func.func @transform_3(%arg0: i32) -> (i32, i32) {
    %c0_i32 = arith.constant 0 : i32
    %c0_i32_0 = arith.constant 0 : i32
    %c0_i32_1 = arith.constant 0 : i32
    return %c0_i32, %c0_i32_0 : i32, i32
  }
  func.func @transform_4(%arg0: i32) -> (i32, i32) {
    %c0_i32 = arith.constant 0 : i32
    %c0_i32_0 = arith.constant 0 : i32
    %c0_i32_1 = arith.constant 0 : i32
    return %c0_i32, %c0_i32_0 : i32, i32
  }
  func.func @transform_5(%arg0: i32) -> (i32, i32) {
    %c0_i32 = arith.constant 0 : i32
    %c0_i32_0 = arith.constant 0 : i32
    %c0_i32_1 = arith.constant 0 : i32
    return %c0_i32, %c0_i32_0 : i32, i32
  }
  func.func @transform_6(%arg0: i32) -> (i32, i32) {
    %c0_i32 = arith.constant 0 : i32
    %c0_i32_0 = arith.constant 0 : i32
    %c0_i32_1 = arith.constant 0 : i32
    return %c0_i32, %c0_i32_0 : i32, i32
  }
  func.func @transform_7(%arg0: i32) -> (i32, i32) {
    %c0_i32 = arith.constant 0 : i32
    %c0_i32_0 = arith.constant 0 : i32
    %c0_i32_1 = arith.constant 0 : i32
    return %c0_i32, %c0_i32_0 : i32, i32
  }
  func.func @transform_8(%arg0: i32) -> (i32, i32) {
    %c0_i32 = arith.constant 0 : i32
    %c0_i32_0 = arith.constant 0 : i32
    %c0_i32_1 = arith.constant 0 : i32
    return %c0_i32, %c0_i32_0 : i32, i32
  }
  func.func @transform_9(%arg0: i32) -> (i32, i32) {
    %c0_i32 = arith.constant 0 : i32
    %c0_i32_0 = arith.constant 0 : i32
    %c0_i32_1 = arith.constant 0 : i32
    return %c0_i32, %c0_i32_0 : i32, i32
  }
  func.func @transform_10(%arg0: i32) -> (i32, i32) {
    %c0_i32 = arith.constant 0 : i32
    %c0_i32_0 = arith.constant 0 : i32
    %c0_i32_1 = arith.constant 0 : i32
    return %c0_i32, %c0_i32_0 : i32, i32
  }
  func.func @transform_11(%arg0: i32) -> (i32, i32) {
    %c0_i32 = arith.constant 0 : i32
    %c0_i32_0 = arith.constant 0 : i32
    return %arg0, %c0_i32 : i32, i32
  }
  func.func @transform_12(%arg0: i32) -> (i32, i32) {
    %c0_i32 = arith.constant 0 : i32
    %c0_i32_0 = arith.constant 0 : i32
    return %arg0, %c0_i32 : i32, i32
  }
  func.func @transform_13(%arg0: i32) -> (i32, i32) {
    %c0_i32 = arith.constant 0 : i32
    %c0_i32_0 = arith.constant 0 : i32
    return %arg0, %c0_i32 : i32, i32
  }
}

module attributes {stable_mosaic.version = 14 : i64} {
  func.func @_post_body(%arg0: i32, %arg1: memref<400x32x128xf32, #tpu.memory_space<vmem>>, %arg2: memref<400x128xf32, #tpu.memory_space<vmem>>, %arg3: memref<400x64xf32, #tpu.memory_space<vmem>>, %arg4: memref<64x64xf32, #tpu.memory_space<vmem>>, %arg5: memref<1x64xf32, #tpu.memory_space<vmem>>, %arg6: memref<1x64xf32, #tpu.memory_space<vmem>>, %arg7: memref<1x64xf32, #tpu.memory_space<vmem>>, %arg8: memref<1x400x64xf32, #tpu.memory_space<vmem>>) attributes {dimension_semantics = [#tpu.dimension_semantics<arbitrary>], iteration_bounds = array<i64: 25>, scalar_prefetch = 0 : i64, scratch_operands = 0 : i64, tpu.core_type = #tpu.core_type<tc>, window_params = [{transform_indices = @transform_0, window_bounds = array<i64: 400, 32, 128>}, {transform_indices = @transform_1, window_bounds = array<i64: 400, 128>}, {transform_indices = @transform_2, window_bounds = array<i64: 400, 64>}, {pipeline_mode = #tpu.pipeline_mode<synchronous>, transform_indices = @transform_3, window_bounds = array<i64: 64, 64>}, {pipeline_mode = #tpu.pipeline_mode<synchronous>, transform_indices = @transform_4, window_bounds = array<i64: 1, 64>}, {pipeline_mode = #tpu.pipeline_mode<synchronous>, transform_indices = @transform_5, window_bounds = array<i64: 1, 64>}, {pipeline_mode = #tpu.pipeline_mode<synchronous>, transform_indices = @transform_6, window_bounds = array<i64: 1, 64>}, {transform_indices = @transform_7, window_bounds = array<i64: 1, 400, 64>}]} {
    %get3A = arith.constant 0 : index
    %get3A_0 = arith.constant 0 : index
    %get3A_1 = arith.constant 0 : index
    %get3A_2 = vector.load %arg1[%get3A, %get3A_0, %get3A_1] : memref<400x32x128xf32, #tpu.memory_space<vmem>>, vector<400x32x128xf32>
    %get3A_3 = arith.constant 0 : index
    %get3A_4 = arith.constant 0 : index
    %get3A_5 = vector.load %arg2[%get3A_3, %get3A_4] : memref<400x128xf32, #tpu.memory_space<vmem>>, vector<400x128xf32>
    %broadcast_in_dim3A = vector.shape_cast %get3A_5 : vector<400x128xf32> to vector<400x1x128xf32>
    %add3A = vector.broadcast %broadcast_in_dim3A : vector<400x1x128xf32> to vector<400x32x128xf32>
    %add3A_6 = arith.addf %get3A_2, %add3A : vector<400x32x128xf32>
    %erf3A = math.erf %add3A_6 : vector<400x32x128xf32>
    %add3A_7 = arith.constant 1.000000e+00 : f32
    %add3A_8 = vector.broadcast %add3A_7 : f32 to vector<400x32x128xf32>
    %add3A_9 = arith.addf %add3A_8, %erf3A : vector<400x32x128xf32>
    %mul3A = arith.mulf %add3A_6, %add3A_9 : vector<400x32x128xf32>
    %reduce_sum3A = arith.constant dense<0.000000e+00> : vector<400x128xf32>
    %reduce_sum3A_10 = vector.multi_reduction <add>, %mul3A, %reduce_sum3A [1] : vector<400x32x128xf32> to vector<400x128xf32>
    %slice3A = vector.extract_strided_slice %reduce_sum3A_10 {offsets = [0, 0], sizes = [400, 64], strides = [1, 1]} : vector<400x128xf32> to vector<400x64xf32>
    %mul3A_11 = arith.constant 0.0220970865 : f32
    %mul3A_12 = vector.broadcast %mul3A_11 : f32 to vector<400x64xf32>
    %mul3A_13 = arith.mulf %slice3A, %mul3A_12 : vector<400x64xf32>
    %get3A_14 = arith.constant 0 : index
    %get3A_15 = arith.constant 0 : index
    %get3A_16 = vector.load %arg4[%get3A_14, %get3A_15] : memref<64x64xf32, #tpu.memory_space<vmem>>, vector<64x64xf32>
    %dot_general3A = arith.constant dense<0.000000e+00> : vector<400x64xf32>
    %dot_general3A_17 = tpu.matmul %mul3A_13, %get3A_16, %dot_general3A {dimension_numbers = #tpu.dot_dimension_numbers<[1], [0], [0], [1], [0, 0, 1, 1], [], []>, transpose_lhs_hint = false} : vector<400x64xf32>, vector<64x64xf32>, vector<400x64xf32> -> vector<400x64xf32>
    %get3A_18 = arith.constant 0 : index
    %get3A_19 = arith.constant 0 : index
    %get3A_20 = vector.load %arg5[%get3A_18, %get3A_19] : memref<1x64xf32, #tpu.memory_space<vmem>>, vector<1x64xf32>
    %add3A_21 = vector.broadcast %get3A_20 : vector<1x64xf32> to vector<400x64xf32>
    %add3A_22 = arith.addf %dot_general3A_17, %add3A_21 : vector<400x64xf32>
    %get3A_23 = arith.constant 0 : index
    %get3A_24 = arith.constant 0 : index
    %get3A_25 = vector.load %arg3[%get3A_23, %get3A_24] : memref<400x64xf32, #tpu.memory_space<vmem>>, vector<400x64xf32>
    %add3A_26 = arith.addf %add3A_22, %get3A_25 : vector<400x64xf32>
    %reduce_sum3A_27 = arith.constant dense<0.000000e+00> : vector<400xf32>
    %reduce_sum3A_28 = vector.multi_reduction <add>, %add3A_26, %reduce_sum3A_27 [1] : vector<400x64xf32> to vector<400xf32>
    %broadcast_in_dim3A_29 = vector.shape_cast %reduce_sum3A_28 : vector<400xf32> to vector<400x1xf32>
    %div3A = arith.constant 6.400000e+01 : f32
    %div3A_30 = vector.broadcast %div3A : f32 to vector<400x1xf32>
    %div3A_31 = arith.divf %broadcast_in_dim3A_29, %div3A_30 : vector<400x1xf32>
    %sub3A = vector.broadcast %div3A_31 : vector<400x1xf32> to vector<400x64xf32>
    %sub3A_32 = arith.subf %add3A_26, %sub3A : vector<400x64xf32>
    %mul3A_33 = arith.mulf %sub3A_32, %sub3A_32 : vector<400x64xf32>
    %reduce_sum3A_34 = arith.constant dense<0.000000e+00> : vector<400xf32>
    %reduce_sum3A_35 = vector.multi_reduction <add>, %mul3A_33, %reduce_sum3A_34 [1] : vector<400x64xf32> to vector<400xf32>
    %broadcast_in_dim3A_36 = vector.shape_cast %reduce_sum3A_35 : vector<400xf32> to vector<400x1xf32>
    %div3A_37 = arith.constant 6.400000e+01 : f32
    %div3A_38 = vector.broadcast %div3A_37 : f32 to vector<400x1xf32>
    %div3A_39 = arith.divf %broadcast_in_dim3A_36, %div3A_38 : vector<400x1xf32>
    %add3A_40 = arith.constant 9.99999974E-6 : f32
    %add3A_41 = vector.broadcast %add3A_40 : f32 to vector<400x1xf32>
    %add3A_42 = arith.addf %div3A_39, %add3A_41 : vector<400x1xf32>
    %rsqrt3A = math.rsqrt %add3A_42 : vector<400x1xf32>
    %mul3A_43 = vector.broadcast %rsqrt3A : vector<400x1xf32> to vector<400x64xf32>
    %mul3A_44 = arith.mulf %sub3A_32, %mul3A_43 : vector<400x64xf32>
    %get3A_45 = arith.constant 0 : index
    %get3A_46 = arith.constant 0 : index
    %get3A_47 = vector.load %arg6[%get3A_45, %get3A_46] : memref<1x64xf32, #tpu.memory_space<vmem>>, vector<1x64xf32>
    %mul3A_48 = vector.broadcast %get3A_47 : vector<1x64xf32> to vector<400x64xf32>
    %mul3A_49 = arith.mulf %mul3A_44, %mul3A_48 : vector<400x64xf32>
    %get3A_50 = arith.constant 0 : index
    %get3A_51 = arith.constant 0 : index
    %get3A_52 = vector.load %arg7[%get3A_50, %get3A_51] : memref<1x64xf32, #tpu.memory_space<vmem>>, vector<1x64xf32>
    %add3A_53 = vector.broadcast %get3A_52 : vector<1x64xf32> to vector<400x64xf32>
    %add3A_54 = arith.addf %mul3A_49, %add3A_53 : vector<400x64xf32>
    %broadcast_in_dim3A_55 = vector.shape_cast %add3A_54 : vector<400x64xf32> to vector<1x400x64xf32>
    %swap3A = arith.constant 0 : index
    %swap3A_56 = arith.constant 0 : index
    %swap3A_57 = arith.constant 0 : index
    %swap3A_58 = vector.load %arg8[%swap3A, %swap3A_56, %swap3A_57] : memref<1x400x64xf32, #tpu.memory_space<vmem>>, vector<1x400x64xf32>
    tpu.vector_store %arg8[%swap3A, %swap3A_56, %swap3A_57], %broadcast_in_dim3A_55 {strides = array<i32>} : memref<1x400x64xf32, #tpu.memory_space<vmem>>, vector<1x400x64xf32>,
    return
  }
  func.func @transform_0(%arg0: i32) -> (i32, i32, i32) {
    %c0_i32 = arith.constant 0 : i32
    %c0_i32_0 = arith.constant 0 : i32
    %c0_i32_1 = arith.constant 0 : i32
    return %arg0, %c0_i32, %c0_i32_0 : i32, i32, i32
  }
  func.func @transform_1(%arg0: i32) -> (i32, i32) {
    %c0_i32 = arith.constant 0 : i32
    %c0_i32_0 = arith.constant 0 : i32
    return %arg0, %c0_i32 : i32, i32
  }
  func.func @transform_2(%arg0: i32) -> (i32, i32) {
    %c0_i32 = arith.constant 0 : i32
    %c0_i32_0 = arith.constant 0 : i32
    return %arg0, %c0_i32 : i32, i32
  }
  func.func @transform_3(%arg0: i32) -> (i32, i32) {
    %c0_i32 = arith.constant 0 : i32
    %c0_i32_0 = arith.constant 0 : i32
    %c0_i32_1 = arith.constant 0 : i32
    return %c0_i32, %c0_i32_0 : i32, i32
  }
  func.func @transform_4(%arg0: i32) -> (i32, i32) {
    %c0_i32 = arith.constant 0 : i32
    %c0_i32_0 = arith.constant 0 : i32
    %c0_i32_1 = arith.constant 0 : i32
    return %c0_i32, %c0_i32_0 : i32, i32
  }
  func.func @transform_5(%arg0: i32) -> (i32, i32) {
    %c0_i32 = arith.constant 0 : i32
    %c0_i32_0 = arith.constant 0 : i32
    %c0_i32_1 = arith.constant 0 : i32
    return %c0_i32, %c0_i32_0 : i32, i32
  }
  func.func @transform_6(%arg0: i32) -> (i32, i32) {
    %c0_i32 = arith.constant 0 : i32
    %c0_i32_0 = arith.constant 0 : i32
    %c0_i32_1 = arith.constant 0 : i32
    return %c0_i32, %c0_i32_0 : i32, i32
  }
  func.func @transform_7(%arg0: i32) -> (i32, i32, i32) {
    %c0_i32 = arith.constant 0 : i32
    %c0_i32_0 = arith.constant 0 : i32
    %c0_i32_1 = arith.constant 0 : i32
    return %c0_i32, %arg0, %c0_i32_0 : i32, i32, i32
  }
}

</mosaic_0001>

<sc_bundles>
// kernel: kernel.5.cloned.1.call-start
scs
__scs_entry_jumppad:
0x0: {  	(pc) =	sbr.rel $0x88, $3  }
0x1: {  	(tag) =	ssettag $0x0;
	lr =	simm.s32 $0x1  }
0x2: {  	[smem:$0x3F93] =	sst lr;
	_ =	strace $0xD0000000  }
0x3: {  	_ = 	snop  }
0x4: {  	_ = 	snop  }
0x5: {  	_ = 	snop  }
0x6: {  	_ = 	snop  }
0x7: {  	_ = 	snop  }
__scs_overlays_trampoline_lowered:
0x8: {  	[smem:$0x3FA2] =	sst s0  }
0x9: {  	[smem:$0x3FA3] =	sst s1  }
0xa: {  	[smem:$0x3FA4] =	sst s2  }
0xb: {  	[smem:$0x3FA5] =	sst s3  }
0xc: {  	[smem:$0x3FA6] =	sst s4  }
0xd: {  	[smem:$0x3FA7] =	sst s5  }
0xe: {  	[smem:$0x3FA8] =	sst s6  }
0xf: {  	[smem:$0x3FA9] =	sst s7  }
0x10: {  	[smem:$0x3FAA] =	sst s8  }
0x11: {  	[smem:$0x3FAB] =	sst s9;
	s0 =	simm.s32 @!p0 $0x0  }
0x12: {  	s1 =	sld [smem:$0x3F91];
	s0 =	simm.s32 @p0 $0x1  }
0x13: {  	[smem:$0x3FAC] =	sst s0;
	s0 =	simm.s32 @!p1 $0x0  }
0x14: {  	s2 =	sld [smem:$0x3F90];
	s0 =	simm.s32 @p1 $0x1  }
0x15: {  	[smem:$0x3FAD] =	sst s0;
	s0 =	simm.s32 @!p2 $0x0  }
0x16: {  	s3 =	sld [smem:$0x3FDB];
	s0 =	simm.s32 @p2 $0x1  }
0x17: {  	s4 =	simm.s32 $0x1BF5;
	[smem:$0x3FAF] =	sst s0  }
0x18: {  	s0 =	sld [smem:$0x3F92];
	_ =	swait.ge [sflag:s4], $0x0  }
0x19: {  	s7 =	sld [smem:$0x3F93]  }
0x1a: {  	s8 =	sadd.s32 $0xFFFFE003, lr  }
0x1b: {  	s9 =	sadd.s32 $0xFFFFFEF7, lr;
	s5 =	simm.s32 $0xFFFFFFFF;
	p2 =	slt.u32 s8, $0xFFFFF086  }
0x1c: {  	p1 =	slt.u32 s9, $0xF7A;
	s5 =	simm.s32 @!p2 $0x0  }
0x1d: {  	s5 =	simm.s32 @p1 $0x1;
	p0 =	seq.s32 s7, s2  }
0x1e: {  	s7 =	smul.u32 @!p0 $0xF7A, s2;
	p2 =	seq.s32 @!p0 s5, $0x0  }
0x1f: {  	s9 =	smul.u32 $0xF7A, s1;
	s8 =	simm.s32 @!p0 $0x1BF5;
	p2 =	por !p2, p0  }
0x20: {  	[sflag:s8] =	ssyncset.s32 @!p0 $0xFFFFF086;
	s6 =	sadd.s32 @!p0 s3, s7;
	s7 =	simm.s32 @!p0 $0x108  }
0x21: {  	s3 =	sadd.s32 s3, s9;
	s6 =	sadd.s32 @!p0 $0x88, s6;
	s7 =	simm.s32 @p2 $0x1082  }
0x22: {  	[simem:s7], [sflag:s8] =	dma.local @!p0 [hbm:s6], $0xF7A  }
0x23: {  	s9 =	sor.u32 $0xD0000000, s2;
	s6 =	simm.s32 $0x108;
	_ =	swait.ge @!p0 [sflag:s8], $0x0  }
0x24: {  	s3 =	sadd.s32 $0x88, s3;
	s6 =	simm.s32 @!p1 $0x1082;
	[sflag:s4] =	ssyncset.s32 $0xFFFFF086  }
0x25: {  	[simem:s6], [sflag:s4] =	dma.local [hbm:s3], $0xF7A  }
0x26: {  	[smem:$0x3F93] =	sst s1;
	(tag) =	ssettag s2;
	_ =	strace s9  }
0x27: {  	s1 =	sld [smem:$0x3FA3]  }
0x28: {  	s2 =	sld [smem:$0x3FA4]  }
0x29: {  	s4 =	sld [smem:$0x3FA6]  }
0x2a: {  	p0 =	seq.s32 s5, $0x0;
	s5 =	sld [smem:$0x3FA7]  }
0x2b: {  	s6 =	sld [smem:$0x3FA8]  }
0x2c: {  	s7 =	sld [smem:$0x3FA9]  }
0x2d: {  	s3 =	simm.s32 $0x108;
	s8 =	sld [smem:$0x3FAA]  }
0x2e: {  	s3 =	simm.s32 @!p0 $0x1082;
	s9 =	sld [smem:$0x3FAB]  }
0x2f: {  	lr =	sadd.s32 s0, s3;
	s0 =	sld [smem:$0x3FA2]  }
0x30: {  	s3 =	sld [smem:$0x3FA5]  }
0x31: {  	[smem:$0x3FAE] =	sst s10  }
0x32: {  	s10 =	sld [smem:$0x3FAC];
	_ =	sdelay $0x3  }
0x33: {  	p0 =	seq.s32 s10, $0x1;
	s10 =	sld [smem:$0x3FAE];
	_ =	sdelay $0x3  }
0x34: {  	[smem:$0x3FAE] =	sst s10  }
0x35: {  	s10 =	sld [smem:$0x3FAD];
	_ =	sdelay $0x3  }
0x36: {  	p1 =	seq.s32 s10, $0x1;
	s10 =	sld [smem:$0x3FAE];
	_ =	sdelay $0x3  }
0x37: {  	[smem:$0x3FAE] =	sst s10  }
0x38: {  	s10 =	sld [smem:$0x3FAF]  }
0x39: {  	_ = 	snop;
	(pc) =	sbr.ind lr, $3  }
0x3a: {  	_ = 	snop  }
0x3b: {  	_ = 	snop  }
0x3c: {  	p2 =	seq.s32 s10, $0x1;
	s10 =	sld [smem:$0x3FAE]  }
0x3d: {  	_ =	shalt  }
0x3e: {  	_ =	shalt  }
0x3f: {  	_ =	shalt  }
0x40: {  	_ =	shalt  }
0x41: {  	_ =	shalt  }
0x42: {  	_ =	shalt  }
0x43: {  	_ =	shalt  }
0x44: {  	_ =	shalt  }
0x45: {  	_ =	shalt  }
0x46: {  	_ =	shalt  }
0x47: {  	_ =	shalt  }
0x48: {  	_ =	shalt  }
0x49: {  	_ =	shalt  }
0x4a: {  	_ =	shalt  }
0x4b: {  	_ =	shalt  }
0x4c: {  	_ =	shalt  }
0x4d: {  	_ =	shalt  }
0x4e: {  	_ =	shalt  }
0x4f: {  	_ =	shalt  }
0x50: {  	_ =	shalt  }
0x51: {  	_ =	shalt  }
0x52: {  	_ =	shalt  }
0x53: {  	_ =	shalt  }
0x54: {  	_ =	shalt  }
0x55: {  	_ =	shalt  }
0x56: {  	_ =	shalt  }
0x57: {  	_ =	shalt  }
0x58: {  	_ =	shalt  }
0x59: {  	_ =	shalt  }
0x5a: {  	_ =	shalt  }
0x5b: {  	_ =	shalt  }
0x5c: {  	_ =	shalt  }
0x5d: {  	_ =	shalt  }
0x5e: {  	_ =	shalt  }
0x5f: {  	_ =	shalt  }
0x60: {  	_ =	shalt  }
0x61: {  	_ =	shalt  }
0x62: {  	_ =	shalt  }
0x63: {  	_ =	shalt  }
0x64: {  	_ =	shalt  }
0x65: {  	_ =	shalt  }
0x66: {  	_ =	shalt  }
0x67: {  	_ =	shalt  }
0x68: {  	_ =	shalt  }
0x69: {  	_ =	shalt  }
0x6a: {  	_ =	shalt  }
0x6b: {  	_ =	shalt  }
0x6c: {  	_ =	shalt  }
0x6d: {  	_ =	shalt  }
0x6e: {  	_ =	shalt  }
0x6f: {  	_ =	shalt  }
0x70: {  	_ =	shalt  }
0x71: {  	_ =	shalt  }
0x72: {  	_ =	shalt  }
0x73: {  	_ =	shalt  }
0x74: {  	_ =	shalt  }
0x75: {  	_ =	shalt  }
0x76: {  	_ =	shalt  }
0x77: {  	_ =	shalt  }
0x78: {  	_ =	shalt  }
0x79: {  	_ =	shalt  }
0x7a: {  	_ =	shalt  }
0x7b: {  	_ =	shalt  }
0x7c: {  	_ =	shalt  }
0x7d: {  	_ =	shalt  }
0x7e: {  	_ =	shalt  }
0x7f: {  	_ =	shalt  }
0x80: {  	_ =	shalt  }
0x81: {  	_ =	shalt  }
0x82: {  	_ =	shalt  }
0x83: {  	_ =	shalt  }
0x84: {  	_ =	shalt  }
0x85: {  	_ =	shalt  }
0x86: {  	_ =	shalt  }
0x87: {  	_ =	shalt  }
.Lfunc_end0:
.L_simem_size_0:
called_computation_lowered:
.L_overlay_start_0:
0x88: {  	s2 =	sld [smem:$0x3FD9]  }
0x89: {  	s3 =	sld [smem:$0x3FFE];
	_ =	sdelay $0x1  }
0x8a: {  	s1 =	srdreg.scid  }
0x8b: {  	s0 =	sand.u32 $0x1, s1  }
0x8c: {  	s17 =	sshll.u32 s0, $0xA;
	s2 =	sadd.s32 s3, s2  }
0x8d: {  	s2 =	sadd.s32 s2, s17  }
0x8e: {  	[smem:$0x3FBA] =	sst s2  }
0x8f: {  	_ = 	snop  }
0x90: {  	s2 =	sld [smem:$0x3FD0];
	(tm) =	ssettm $0x1  }
0x91: {  	s18 =	sld [smem:$0x3FFB];
	_ =	sdelay $0x3  }
0x92: {  	_ =	strace s18  }
0x93: {  	s3 =	sld [smem:$0x3FFC];
	_ =	sdelay $0x3  }
0x94: {  	_ =	strace s3  }
0x95: {  	s3 =	sld [smem:$0x3FFD];
	_ =	sdelay $0x3  }
0x96: {  	_ =	strace s3  }
0x97: {  	_ =	strace $0x8FFFFFFF  }
0x98: {  	s19 =	sld [smem:$0x3FDB];
	_ =	sdelay $0x1  }
0x99: {  	s4 =	simm.s32 $_scs_section_size  }
0x9a: {  	s5 =	simm.s32 $_size__tile_overlayer_lowered;
	s6 =	simm.s32 $_tile_overlayer_lowered  }
0x9b: {  	s22 =	simm.s32 $0x1BFF;
	s21 =	sshll.u32 s6, $0x1;
	s3 =	sadd.s32 s4, s19  }
0x9c: {  	s7 =	simm.s32 $0x0;
	s20 =	sshll.u32 s5, $0x1;
	s5 =	sadd.s32 s21, s3  }
0x9d: {  	[timem:s7], [sflag:s22] =	dma.local [hbm:s5], s20  }
0x9e: {  	_ =	swait.ge [sflag:s22], s20  }
0x9f: {  	s4 =	ssub.s32 $0x0, s20;
	[sflag:s22] =	ssyncset.done $0x0  }
0xa0: {  	[sflag:s22] =	ssyncadd.s32 s4;
	_ =	sdelay $0x1  }
0xa1: {  	s23 =	simm.s32 $0x1B8B  }
0xa2: {  	_ =	swait.ge [sflag:s23], $0x1  }
0xa3: {  	[sflag:s23] =	ssyncset.done $0x0  }
0xa4: {  	s25 =	simm.s32 $0x1B8E;
	s24 =	sld [smem:$0x3FFE];
	[sflag:s23] =	ssyncadd.s32 $0xFFFFFFFF  }
0xa5: {  	s26 =	simm.s32 $execute0_lowered;
	[smem:$0x3FD2] =	sst s25  }
0xa6: {  	s5 =	sshll.u32 s26, $0x1;
	_ =	strace $0x80000046;
	[dreg:$0x1] =	wrdreg $0xFFFFFFFF  }
0xa7: {  	s28 =	simm.s32 $_size_execute0_lowered;
	s3 =	sadd.s32 s3, s5;
	[dreg:$0x0] =	wrdreg $0x0  }
0xa8: {  	s5 =	sshll.u32 s28, $0x1;
	[dreg:$0x2] =	wrdreg s3  }
0xa9: {  	[dreg:$0x3] =	wrdreg s5  }
0xaa: {  	[dreg:$0x4] =	wrdreg $0xC0  }
0xab: {  	_ =	task [dreg:s7], $0x5FFFF  }
0xac: {  	[dreg:$0x1] =	wrdreg $0xFFFFFFFF  }
0xad: {  	[dreg:$0x0] =	wrdreg $0x60  }
0xae: {  	[dreg:$0x2] =	wrdreg s24  }
0xaf: {  	[dreg:$0x3] =	wrdreg s2  }
0xb0: {  	[dreg:$0x4] =	wrdreg $0x0  }
0xb1: {  	[dreg:$0x5] =	wrdreg $0x9  }
0xb2: {  	_ =	task.clear_ibuf [dreg:s7], $0x6FFFF;
	_ =	strace $0x90000046  }
0xb3: {  	s29 =	simm.s32 $0x9;
	_ =	strace $0x80000048  }
0xb4: {  	_ =	swait.ge [sflag:s29], $0x1  }
0xb5: {  	[sflag:s29] =	ssyncadd.s32 $0xFFFFFFFF  }
0xb6: {  	_ =	strace $0x90000048  }
0xb7: {  	_ =	sfence  }
0xb8: {  	s30 =	sld [smem:$0x0];
	_ =	sdelay $0x2  }
0xb9: {  	s31 =	sshll.u32 s1, $0xD;
	s1 =	sshrl.u32 s1, $0x2  }
0xba: {  	s3 =	sand.u32 $0x4000, s31;
	s1 =	sadd.s32 s1, s30  }
0xbb: {  	s0 =	sor.u32 s3, s0;
	s1 =	sshll.u32 s1, $0x11  }
0xbc: {  	s0 =	sor.u32 s1, s0  }
0xbd: {  	s0 =	sadd.s32 $0x8F2B, s0  }
0xbe: {  	[sflag:s0] =	ssyncadd.remote.s32 $0x1  }
0xbf: {  	_ =	sfence.sel $0xFFFF  }
0xc0: {  	[dreg:$0x0] =	wrdreg $0xFFFFFFFF;
	(pc) =	sbr.abs _section_cstart, $3  }
0xc1: {  	[dreg:$0x1] =	wrdreg $0xFFFFFFFF  }
0xc2: {  	_ =	task.clear_ibuf [dreg:s7], $0x2FFFF;
	_ =	strace $0x9FFFFFFF  }
0xc3: {  	(tm) =	ssettm $0x7FFFFFFF  }
tec
execute0_lowered:
.L_overlay_start_1:
0x0: {  	(tag) =	ssettag $0x1  }
0x1: {  	s4 =	rddreg [dreg:$0x0]  }
0x2: {  	s15 =	rddreg [dreg:$0x1]  }
0x3: {  	s2 =	rddreg [dreg:$0x2];
	s0 =	stileid.u32  }
0x4: {  	s3 =	simm.s32 $0x0;
	s6 =	srdreg.scid;
	s5 =	smul.u32 $0x2800, s0  }
0x5: {  	s20 =	simm.s32 $0x50;
	s21 =	simm.s32 $0x14100;
	s22 =	smul.u32 $0x50000, s0  }
0x6: {  	[smem:$0x7FF] =	sst s3;
	s12 =	sand.u32 $0x1, s6;
	s14 =	smul.u32 $0x4E20, s0  }
0x7: {  	s7 =	sshll.u32 s0, $0x1;
	s13 =	sadd.s32 $0x79000, s4;
	s18 =	smul.u32 $0x4E200, s0  }
0x8: {  	s24 =	sshll.u32 s0, $0x6;
	_ =	strace $0x80000047;
	s17 =	smul.u32 $0x2710, s12  }
0x9: {  	s23 =	ssub.s32 $0x2, s12;
	s7 =	sor.u32 s12, s7;
	s28 =	smul.u32 $0x27100, s12  }
0xa: {  	s5 =	sadd.s32 s5, s4;
	s8 =	sshrl.u32 s23, $0x1;
	s9 =	smul.u32 $0x2710, s7  }
0xb: {  	s6 =	sshrl.u32 s22, $0x2;
	s26 =	smul.u32 $0x27100, s7;
	s22 =	simm.s32 $0x2  }
0xc: {  	s8 =	ssub.s32 s23, s8;
	s16 =	sadd.s32 s6, s2;
	s4 =	sadd.s32 $0x29E00, s5  }
0xd: {  	s5 =	sor.u32 $0x1C01, s24;
	s14 =	sadd.s32 s17, s14;
	s23 =	simm.s32 $0x16900  }
0xe: {  	s24 =	simm.s32 $0x3;
	s25 =	sshrl.u32 s9, $0x3;
	s7 =	smax.u32 s8, $0x1  }
0xf: {  	s9 =	sadd.s32 s13, s26;
	s19 =	sadd.s32 $0x140, s14;
	s13 =	sadd.s32 s18, s13  }
0x10: {  	s30 =	sadd.s32 $0xF0, s14;
	s16 =	sshrl.u32 s16, $0x3;
	s18 =	simm.s32 $0x14000  }
0x11: {  	s26 =	simm.s32 $0x0;
	s6 =	sadd.s32 s15, s25;
	s11 =	sadd.s32 $0x500, s9  }
0x12: {  	s12 =	sadd.s32 $0x26C00, s9;
	s29 =	sshrl.u32 s19, $0x3;
	s17 =	sadd.s32 s28, s13  }
0x13: {  	s31 =	sshrl.u32 s30, $0x3;
	s19 =	simm.s32 $0x14080;
	s25 =	simm.s32 $0x4  }
0x14: {  	s8 =	sadd.s32 $0xA, s6;
	s10 =	sadd.s32 $0x14, s6;
	s13 =	sadd.s32 s29, s15  }
0x15: {  	s14 =	sadd.s32 $0xF00, s17;
	s15 =	sadd.s32 s31, s15;
	s17 =	simm.s32 $0x1  }
.LBB2_1:
0x16: {  	[spmem:s16], [sflag:s5] =	dma.local [hbm:s4], $0x2800  }
0x17: {  	_ =	swait.ge [sflag:s17], $0x2800  }
0x18: {  	[sflag:s17] =	ssyncset.done $0x0  }
0x19: {  	[sflag:s17] =	ssyncadd.s32 $0xFFFFD800  }
0x1a: {  	[bflag:$0x0] =	sbarrier.arrive $0xFFFF  }
0x1b: {  	[tilespmem:s18], [sflag:$0x1] =	stream.linear.gather [hbm4b:s6+s3], $0x50, $0x38;
	[tilespmem:$0x19100] =	vst v63  }
0x1c: {  	_ =	swait.ge [sflag:s17], $0x50  }
0x1d: {  	[sflag:s17] =	ssyncset.done $0x0  }
0x1e: {  	[sflag:s17] =	ssyncadd.s32 $0xFFFFFFB0  }
0x1f: {  	[tilespmem:s19], [sflag:$0x1] =	stream.linear.gather [hbm4b:s8+s3], $0x50, $0x38;
	[tilespmem:$0x19100] =	vst v63  }
0x20: {  	_ = 	snop  }
0x21: {  	[tilespmem:s21], [sflag:$0x2] =	stream.indirect.gather [spmem:s2], $0x80, s18, s20, $0xb8;
	[tilespmem:$0x19100] =	vst v63  }
0x22: {  	_ =	swait.ge [sflag:s22], $0x2800  }
0x23: {  	[sflag:s22] =	ssyncset.done $0x0  }
0x24: {  	[sflag:s22] =	ssyncadd.s32 $0xFFFFD800  }
0x25: {  	[hbm4b:s9+s3] =	stream.linear.scatter [tilespmem:s21], [sflag:$0x3], $0x2800, $0x38;
	[tilespmem:$0x19100] =	vst v63  }
0x26: {  	_ =	swait.ge [sflag:s17], $0x50  }
0x27: {  	[sflag:s17] =	ssyncset.done $0x0  }
0x28: {  	[sflag:s17] =	ssyncadd.s32 $0xFFFFFFB0  }
0x29: {  	[tilespmem:s18], [sflag:$0x1] =	stream.linear.gather [hbm4b:s10+s3], $0x50, $0x38;
	[tilespmem:$0x19100] =	vst v63  }
0x2a: {  	_ = 	snop  }
0x2b: {  	[tilespmem:s23], [sflag:$0x2] =	stream.indirect.gather [spmem:s2], $0x80, s19, s20, $0xb8;
	[tilespmem:$0x19100] =	vst v63  }
0x2c: {  	_ =	swait.ge [sflag:s22], $0x2800  }
0x2d: {  	[sflag:s22] =	ssyncset.done $0x0  }
0x2e: {  	[sflag:s22] =	ssyncadd.s32 $0xFFFFD800  }
0x2f: {  	[hbm4b:s11+s3] =	stream.linear.scatter [tilespmem:s23], [sflag:$0x4], $0x2800, $0x38;
	[tilespmem:$0x19100] =	vst v63  }
0x30: {  	_ =	swait.ge [sflag:s17], $0x50  }
0x31: {  	[sflag:s17] =	ssyncset.done $0x0  }
0x32: {  	s28 =	sadd.s32 $0x0, s15;
	[sflag:s17] =	ssyncadd.s32 $0xFFFFFFB0  }
0x33: {  	[tilespmem:s19], [sflag:$0x1] =	stream.linear.gather [hbm4b:s28+s3], $0x50, $0x38;
	[tilespmem:$0x19100] =	vst v63  }
0x34: {  	_ =	swait.ge [sflag:s24], $0x2800  }
0x35: {  	[sflag:s24] =	ssyncset.done $0x0  }
0x36: {  	[sflag:s24] =	ssyncadd.s32 $0xFFFFD800  }
0x37: {  	[tilespmem:s21], [sflag:$0x2] =	stream.indirect.gather [spmem:s2], $0x80, s18, s20, $0xb8;
	[tilespmem:$0x19100] =	vst v63  }
0x38: {  	_ =	swait.ge [sflag:s22], $0x2800  }
0x39: {  	[sflag:s22] =	ssyncset.done $0x0  }
0x3a: {  	s28 =	sadd.s32 $0xFFFFFB00, s14;
	[sflag:s22] =	ssyncadd.s32 $0xFFFFD800  }
0x3b: {  	[hbm4b:s28+s3] =	stream.linear.scatter [tilespmem:s21], [sflag:$0x3], $0x2800, $0x38;
	[tilespmem:$0x19100] =	vst v63  }
0x3c: {  	_ =	swait.ge [sflag:s17], $0x50  }
0x3d: {  	[sflag:s17] =	ssyncset.done $0x0  }
0x3e: {  	s28 =	sadd.s32 $0x0, s13;
	[sflag:s17] =	ssyncadd.s32 $0xFFFFFFB0  }
0x3f: {  	[tilespmem:s18], [sflag:$0x1] =	stream.linear.gather [hbm4b:s28+s3], $0x50, $0x38;
	[tilespmem:$0x19100] =	vst v63  }
0x40: {  	_ =	swait.ge [sflag:s25], $0x2800  }
0x41: {  	[sflag:s25] =	ssyncset.done $0x0  }
0x42: {  	[sflag:s25] =	ssyncadd.s32 $0xFFFFD800  }
0x43: {  	[tilespmem:s23], [sflag:$0x2] =	stream.indirect.gather [spmem:s2], $0x80, s19, s20, $0xb8;
	[tilespmem:$0x19100] =	vst v63  }
0x44: {  	_ =	swait.ge [sflag:s22], $0x2800  }
0x45: {  	[sflag:s22] =	ssyncset.done $0x0  }
0x46: {  	[sflag:s22] =	ssyncadd.s32 $0xFFFFD800  }
0x47: {  	[hbm4b:s14+s3] =	stream.linear.scatter [tilespmem:s23], [sflag:$0x4], $0x2800, $0x38;
	[tilespmem:$0x19100] =	vst v63  }
0x48: {  	s29 =	simm.s32 $0x14;
	_ =	swait.ge [sflag:s17], $0x50  }
0x49: {  	s30 =	simm.s32 $0x28;
	s28 =	sadd.s32 $0xA00, s14;
	[sflag:s17] =	ssyncset.done $0x0  }
.LBB2_2:
0x4a: {  	s31 =	sadd.s32 s29, s15  }
0x4b: {  	[sflag:s17] =	ssyncadd.s32 $0xFFFFFFB0;
	s0 =	smov.u32 s30;
	s1 =	sadd.s32 $0x14, s30  }
0x4c: {  	[tilespmem:s19], [sflag:$0x1] =	stream.linear.gather [hbm4b:s31+s3], $0x50, $0x38;
	[tilespmem:$0x19100] =	vst v63  }
0x4d: {  	p0 =	sne.s32 s30, $0x4B0;
	_ =	swait.ge [sflag:s24], $0x2800  }
0x4e: {  	[sflag:s24] =	ssyncset.done $0x0  }
0x4f: {  	[sflag:s24] =	ssyncadd.s32 $0xFFFFD800  }
0x50: {  	[tilespmem:s21], [sflag:$0x2] =	stream.indirect.gather [spmem:s2], $0x80, s18, s20, $0xb8;
	[tilespmem:$0x19100] =	vst v63  }
0x51: {  	_ =	swait.ge [sflag:s22], $0x2800  }
0x52: {  	[sflag:s22] =	ssyncset.done $0x0  }
0x53: {  	s30 =	sadd.s32 $0xFFFFFB00, s28;
	[sflag:s22] =	ssyncadd.s32 $0xFFFFD800  }
0x54: {  	[hbm4b:s30+s3] =	stream.linear.scatter [tilespmem:s21], [sflag:$0x3], $0x2800, $0x38;
	[tilespmem:$0x19100] =	vst v63  }
0x55: {  	_ =	swait.ge [sflag:s17], $0x50  }
0x56: {  	[sflag:s17] =	ssyncset.done $0x0  }
0x57: {  	s30 =	sadd.s32 s29, s13;
	s29 =	smov.u32 s0;
	[sflag:s17] =	ssyncadd.s32 $0xFFFFFFB0  }
0x58: {  	[tilespmem:s18], [sflag:$0x1] =	stream.linear.gather [hbm4b:s30+s3], $0x50, $0x38;
	[tilespmem:$0x19100] =	vst v63  }
0x59: {  	_ =	swait.ge [sflag:s25], $0x2800  }
0x5a: {  	[sflag:s25] =	ssyncset.done $0x0  }
0x5b: {  	[sflag:s25] =	ssyncadd.s32 $0xFFFFD800  }
0x5c: {  	[tilespmem:s23], [sflag:$0x2] =	stream.indirect.gather [spmem:s2], $0x80, s19, s20, $0xb8;
	[tilespmem:$0x19100] =	vst v63  }
0x5d: {  	_ =	swait.ge [sflag:s22], $0x2800  }
.Ltmp0:
0x5e: {  	[sflag:s22] =	ssyncset.done $0x0;
	(pc) =	sbr.rel @p0 .LBB2_2-.Ltmp0, $4  }
0x5f: {  	[sflag:s22] =	ssyncadd.s32 $0xFFFFD800  }
0x60: {  	[hbm4b:s28+s3] =	stream.linear.scatter [tilespmem:s23], [sflag:$0x4], $0x2800, $0x38;
	[tilespmem:$0x19100] =	vst v63  }
0x61: {  	_ =	swait.ge [sflag:s17], $0x50  }
0x62: {  	s30 =	smov.u32 s1;
	s28 =	sadd.s32 $0xA00, s28;
	[sflag:s17] =	ssyncset.done $0x0  }
0x63: {  	s0 =	sadd.s32 s29, s15;
	[sflag:s17] =	ssyncadd.s32 $0xFFFFFFB0  }
0x64: {  	[tilespmem:s19], [sflag:$0x1] =	stream.linear.gather [hbm4b:s0+s3], $0x50, $0x38;
	[tilespmem:$0x19100] =	vst v63  }
0x65: {  	_ =	swait.ge [sflag:s24], $0x2800  }
0x66: {  	[sflag:s24] =	ssyncset.done $0x0  }
0x67: {  	[sflag:s24] =	ssyncadd.s32 $0xFFFFD800  }
0x68: {  	[tilespmem:s21], [sflag:$0x2] =	stream.indirect.gather [spmem:s2], $0x80, s18, s20, $0xb8;
	[tilespmem:$0x19100] =	vst v63  }
0x69: {  	_ =	swait.ge [sflag:s22], $0x2800  }
0x6a: {  	[sflag:s22] =	ssyncset.done $0x0  }
0x6b: {  	s30 =	sadd.s32 $0xFFFFFB00, s28;
	[sflag:s22] =	ssyncadd.s32 $0xFFFFD800  }
0x6c: {  	[hbm4b:s30+s3] =	stream.linear.scatter [tilespmem:s21], [sflag:$0x3], $0x2800, $0x38;
	[tilespmem:$0x19100] =	vst v63  }
0x6d: {  	_ =	swait.ge [sflag:s17], $0x50  }
0x6e: {  	[sflag:s17] =	ssyncset.done $0x0  }
0x6f: {  	s31 =	sadd.s32 s29, s13;
	[sflag:s17] =	ssyncadd.s32 $0xFFFFFFB0  }
0x70: {  	[tilespmem:s18], [sflag:$0x1] =	stream.linear.gather [hbm4b:s31+s3], $0x50, $0x38;
	[tilespmem:$0x19100] =	vst v63  }
0x71: {  	_ =	swait.ge [sflag:s25], $0x2800  }
0x72: {  	[sflag:s25] =	ssyncset.done $0x0  }
0x73: {  	[sflag:s25] =	ssyncadd.s32 $0xFFFFD800  }
0x74: {  	[tilespmem:s23], [sflag:$0x2] =	stream.indirect.gather [spmem:s2], $0x80, s19, s20, $0xb8;
	[tilespmem:$0x19100] =	vst v63  }
0x75: {  	_ =	swait.ge [sflag:s22], $0x2800  }
0x76: {  	[sflag:s22] =	ssyncset.done $0x0  }
0x77: {  	[sflag:s22] =	ssyncadd.s32 $0xFFFFD800  }
0x78: {  	[hbm4b:s28+s3] =	stream.linear.scatter [tilespmem:s23], [sflag:$0x4], $0x2800, $0x38;
	[tilespmem:$0x19100] =	vst v63  }
0x79: {  	_ =	swait.ge [sflag:s17], $0x50  }
0x7a: {  	[sflag:s17] =	ssyncset.done $0x0  }
0x7b: {  	[sflag:s17] =	ssyncadd.s32 $0xFFFFFFB0  }
0x7c: {  	_ =	swait.ge [sflag:s24], $0x2800  }
0x7d: {  	[sflag:s24] =	ssyncset.done $0x0  }
0x7e: {  	[sflag:s24] =	ssyncadd.s32 $0xFFFFD800  }
0x7f: {  	[tilespmem:s21], [sflag:$0x2] =	stream.indirect.gather [spmem:s2], $0x80, s18, s20, $0xb8;
	[tilespmem:$0x19100] =	vst v63  }
0x80: {  	_ =	swait.ge [sflag:s22], $0x2800  }
0x81: {  	[sflag:s22] =	ssyncset.done $0x0  }
0x82: {  	s26 =	sadd.s32 $0x1, s26;
	[sflag:s22] =	ssyncadd.s32 $0xFFFFD800  }
0x83: {  	[hbm4b:s12+s3] =	stream.linear.scatter [tilespmem:s21], [sflag:$0x3], $0x2800, $0x38;
	[tilespmem:$0x19100] =	vst v63  }
0x84: {  	p0 =	sne.s32 s26, s7;
	_ =	swait.ge [sflag:s24], $0x2800  }
.Ltmp1:
0x85: {  	[sflag:s24] =	ssyncset.done $0x0;
	(pc) =	sbr.rel @p0 .LBB2_1-.Ltmp1, $4  }
0x86: {  	[sflag:s24] =	ssyncadd.s32 $0xFFFFD800  }
0x87: {  	_ =	swait.ge [sflag:s25], $0x2800  }
0x88: {  	[sflag:s25] =	ssyncset.done $0x0  }
0x89: {  	[sflag:s25] =	ssyncadd.s32 $0xFFFFD800  }
0x8a: {  	_ =	sfence.sel $0x180000  }
0x8b: {  	[bflag:$0x0] =	sbarrier.arrive $0xFFFF  }
0x8c: {  	_ =	strace $0x90000047  }
0x8d: {  	s0 =	stileid.u32;
	[bflag:$0x2] =	sbarrier.arrive $0xFFFF  }
0x8e: {  	p0 =	sne.s32 s0, $0x0;
	s0 =	rddreg [dreg:$0x3]  }
0x8f: {  	s0 =	sadd.s32 @!p0 $0x100000, s0  }
0x90: {  	[sflag:s0] =	ssyncadd.tile.s32 @!p0 $0x1;
	_ =	shalt  }
.Lfunc_end2:
_tile_overlayer_lowered:
.L_overlay_start_2:
0x91: {  	(tag) =	ssettag $0x2  }
0x92: {  	s0 =	rddreg [dreg:$0x0];
	s2 =	stileid.u32  }
0x93: {  	s1 =	rddreg [dreg:$0x1];
	p0 =	sne.s32 s2, $0x0  }
0x94: {  	s3 =	rddreg [dreg:$0x2];
	[bflag:$0x3] =	sbarrier.arrive $0xFFFF;
	s2 =	simm.s32 @!p0 $0x1C05  }
0x95: {  	[timem:s3], [sflag:s2] =	dma.local @!p0 [hbm:s0], s1  }
0x96: {  	s0 =	simm.s32 @!p0 $0x5  }
0x97: {  	_ =	swait.ge @!p0 [sflag:s0], s1  }
0x98: {  	s1 =	ssub.s32 @!p0 $0x0, s1;
	[sflag:s0] =	ssyncset.done @!p0 $0x0  }
0x99: {  	[sflag:s0] =	ssyncadd.s32 @!p0 s1  }
0x9a: {  	[bflag:$0x3] =	sbarrier.arrive $0xFFFF  }
0x9b: {  	_ =	shalt  }

</sc_bundles>
